<compile_context>
chip_gen: v7x
topology: tpu7x:2x2x1
jax: 0.10.2.dev20260603
libtpu: 0.0.44.dev20260713+nightly
codegen_flags: <defaults>
</compile_context>

<pallas_src>
import functools

import jax
import jax.numpy as jnp
from jax import lax
from jax.experimental import pallas as pl
from jax.experimental.pallas import tpu as pltpu
from jax.experimental.pallas import tpu_sc as plsc

_N_TOKENS = 4096
_N_CODES = 1024
_DIM = 64
_PAD_DIM = 128

_NC = 2
_NS = 16
_NW = _NC * _NS
_ROWS_PER_W = _N_TOKENS // _NW

_BLK = 2048
_N_BLK = _N_TOKENS // _BLK

_HIGHEST = lax.Precision.HIGHEST


def _rank_body(x_ref, cb_ref, a1_ref, a2_ref, cbp_ref, cbn_scr):
    cb = cb_ref[...]

    @pl.when(pl.program_id(0) == 0)
    def _():
        cbn_scr[...] = lax.dot_general(
            jnp.ones((1, _DIM), jnp.float32), cb * cb, (((1,), (1,)), ((), ())),
            precision=_HIGHEST, preferred_element_type=jnp.float32)
        idcol = lax.broadcasted_iota(
            jnp.int32, (_N_CODES, 1), 0).astype(jnp.float32)
        cbp_ref[...] = jnp.concatenate(
            [cb, idcol,
             jnp.zeros((_N_CODES, _PAD_DIM - _DIM - 1), jnp.float32)], axis=1)

    dots = lax.dot_general(x_ref[...], cb, (((1,), (1,)), ((), ())),
                           precision=_HIGHEST,
                           preferred_element_type=jnp.float32)
    scores = cbn_scr[...] - 2.0 * dots
    iota = lax.broadcasted_iota(jnp.int32, scores.shape, 1)
    big_i = jnp.int32(2**30)

    def first_min(s):
        m = jnp.min(s, axis=1, keepdims=True)
        return jnp.min(jnp.where(s == m, iota, big_i), axis=1, keepdims=True)

    a1 = first_min(scores)
    a2 = first_min(jnp.where(iota == a1, jnp.inf, scores))
    a1_ref[...] = a1.reshape(_BLK)
    a2_ref[...] = a2.reshape(_BLK)


_tc_rank = pl.pallas_call(
    _rank_body,
    grid=(_N_BLK,),
    in_specs=[
        pl.BlockSpec((_BLK, _DIM), lambda i: (i, 0)),
        pl.BlockSpec((_N_CODES, _DIM), lambda i: (0, 0)),
    ],
    out_specs=(
        pl.BlockSpec((_BLK,), lambda i: (i,)),
        pl.BlockSpec((_BLK,), lambda i: (i,)),
        pl.BlockSpec((_N_CODES, _PAD_DIM), lambda i: (0, 0)),
    ),
    out_shape=(
        jax.ShapeDtypeStruct((_N_TOKENS,), jnp.int32),
        jax.ShapeDtypeStruct((_N_TOKENS,), jnp.int32),
        jax.ShapeDtypeStruct((_N_CODES, _PAD_DIM), jnp.float32),
    ),
    scratch_shapes=[pltpu.VMEM((1, _N_CODES), jnp.float32)],
)


@functools.cache
def _sc_gather_fn():
    @functools.partial(
        pl.kernel,
        mesh=plsc.VectorSubcoreMesh(core_axis_name="c", subcore_axis_name="s"),
        out_type=(
            jax.ShapeDtypeStruct((_N_TOKENS, _PAD_DIM), jnp.float32),
            jax.ShapeDtypeStruct((_N_TOKENS, _PAD_DIM), jnp.float32),
        ),
        scratch_types=[
            pltpu.VMEM((_ROWS_PER_W,), jnp.int32),
            pltpu.VMEM((_ROWS_PER_W,), jnp.int32),
            pltpu.VMEM((_ROWS_PER_W, _PAD_DIM), jnp.float32),
            pltpu.VMEM((_ROWS_PER_W, _PAD_DIM), jnp.float32),
            pltpu.SemaphoreType.DMA,
            pltpu.SemaphoreType.DMA,
        ],
    )
    def _sc_gather2(cbp_hbm, a1_hbm, a2_hbm, o1_hbm, o2_hbm,
                    i1_v, i2_v, r1_v, r2_v, sem1, sem2):
        wid = lax.axis_index("s") * _NC + lax.axis_index("c")
        base = wid * _ROWS_PER_W
        pltpu.sync_copy(a1_hbm.at[pl.ds(base, _ROWS_PER_W)], i1_v)
        pltpu.sync_copy(a2_hbm.at[pl.ds(base, _ROWS_PER_W)], i2_v)
        cp1 = pltpu.async_copy(cbp_hbm.at[i1_v], r1_v, sem1)
        cp2 = pltpu.async_copy(cbp_hbm.at[i2_v], r2_v, sem2)
        cp1.wait()
        cp2.wait()
        pltpu.sync_copy(r1_v, o1_hbm.at[pl.ds(base, _ROWS_PER_W)])
        pltpu.sync_copy(r2_v, o2_hbm.at[pl.ds(base, _ROWS_PER_W)])

    return _sc_gather2


def _pick_body(x_ref, g1_ref, g2_ref, q_ref):
    x = x_ref[...]
    g1 = g1_ref[...]
    g2 = g2_ref[...]
    c1 = g1[:, :_DIM]
    c2 = g2[:, :_DIM]
    a1 = g1[:, _DIM:_DIM + 1]
    a2 = g2[:, _DIM:_DIM + 1]
    df1 = x - c1
    df2 = x - c2
    d1 = jnp.sqrt(jnp.sum(df1 * df1, axis=1, keepdims=True))
    d2 = jnp.sqrt(jnp.sum(df2 * df2, axis=1, keepdims=True))
    pick2 = (d2 < d1) | ((d2 == d1) & (a2 < a1))
    q_ref[...] = jnp.where(pick2, c2, c1)


_tc_pick = pl.pallas_call(
    _pick_body,
    grid=(_N_BLK,),
    in_specs=[
        pl.BlockSpec((_BLK, _DIM), lambda i: (i, 0)),
        pl.BlockSpec((_BLK, _PAD_DIM), lambda i: (i, 0)),
        pl.BlockSpec((_BLK, _PAD_DIM), lambda i: (i, 0)),
    ],
    out_specs=pl.BlockSpec((_BLK, _DIM), lambda i: (i, 0)),
    out_shape=jax.ShapeDtypeStruct((_N_TOKENS, _DIM), jnp.float32),
)


def kernel(inputs, codebook):
    a1, a2, cbp = _tc_rank(inputs, codebook)
    g1, g2 = _sc_gather_fn()(cbp, a1, a2)
    return _tc_pick(inputs, g1, g2)

# --- scband reference (transcript-rebuilt; emitter-appended) ---
"""Pipeline reference for scband-vector-quantizer-66383014527027 (READ-ONLY COPY).

The authoritative reference and input builder live on the scoring server;
editing this copy changes nothing except your own understanding.
"""

import jax, jax.numpy as jnp
import numpy as np

NUM_CODES = 1024
CODE_DIM = 64
N_TOKENS = 4096

def setup_inputs(seed: int = 0) -> dict:
    key = jax.random.key(seed)
    k1, k2 = jax.random.split(key)
    inputs = jax.random.normal(k1, (N_TOKENS, CODE_DIM), dtype=jnp.float32)
    # learned codebook weight, initializer='random_normal' (stddev ~0.05 in keras default)
    codebook = jax.random.normal(k2, (NUM_CODES, CODE_DIM), dtype=jnp.float32) * 0.05
    return {"inputs": inputs, "codebook": codebook}

def reference(inputs, codebook):
    # distances = tf.norm(inputs[:, None] - codebook[None, :], axis=-1)
    distances = jnp.linalg.norm(inputs[:, None, :] - codebook[None, :, :], axis=-1)
    # quantized_indices = tf.argmin(distances, axis=-1)
    quantized_indices = jnp.argmin(distances, axis=-1)
    # quantized_latents = tf.gather(self.codebook, quantized_indices)
    quantized_latents = jnp.take(codebook, quantized_indices, axis=0)
    return quantized_latents

if __name__ == "__main__":
    import jax
    _d = setup_inputs()
    print(jax.jit(kernel)(*tuple(_d.values())))

</pallas_src>

<mosaic_0001>
#map = affine_map<(d0, d1) -> (0, 0)>
#map1 = affine_map<(d0, d1) -> (0)>
module attributes {stable_mosaic.version = 14 : i64} {
  func.func @_sc_gather2(%arg0: i32, %arg1: i32, %arg2: memref<1024x128xf32, #tpu.memory_space<hbm>>, %arg3: memref<4096xi32, #tpu.memory_space<hbm>>, %arg4: memref<4096xi32, #tpu.memory_space<hbm>>, %arg5: memref<4096x128xf32, #tpu.memory_space<hbm>>, %arg6: memref<4096x128xf32, #tpu.memory_space<hbm>>, %arg7: memref<128xi32, #tpu.memory_space<vmem>>, %arg8: memref<128xi32, #tpu.memory_space<vmem>>, %arg9: memref<128x128xf32, #tpu.memory_space<vmem>>, %arg10: memref<128x128xf32, #tpu.memory_space<vmem>>, %arg11: memref<!tpu.dma_semaphore, #tpu.memory_space<semaphore_mem>>, %arg12: memref<!tpu.dma_semaphore, #tpu.memory_space<semaphore_mem>>) attributes {dimension_semantics = [#tpu.dimension_semantics<core_parallel>, #tpu.dimension_semantics<subcore_parallel>], iteration_bounds = array<i64: 2, 16>, scalar_prefetch = 0 : i64, scratch_operands = 6 : i64, tpu.core_type = #tpu.core_type<sc_vector_subcore>, window_params = [{transform_indices = #map}, {transform_indices = #map1}, {transform_indices = #map1}, {transform_indices = #map}, {transform_indices = #map}]} {
    %mul3A = arith.constant 2 : i32
    %mul3A_0 = arith.muli %arg1, %mul3A : i32
    %add3A = arith.addi %mul3A_0, %arg0 : i32
    %mul3A_1 = arith.constant 128 : i32
    %mul3A_2 = arith.muli %add3A, %mul3A_1 : i32
    "tpu.region"() ({
      %run_scoped3A = tpu.sem_alloc : memref<!tpu.dma_semaphore, #tpu.memory_space<semaphore_mem>>
      %dma_start3A_13 = tpu.memref_slice %arg3[%mul3A_2] : memref<4096xi32, #tpu.memory_space<hbm>> -> memref<128xi32, #tpu.memory_space<hbm>>
      %dma_start3A_14 = tpu.memref_slice %arg3[%mul3A_2] : memref<4096xi32, #tpu.memory_space<hbm>> -> memref<128xi32, #tpu.memory_space<hbm>>
      tpu.enqueue_dma source(%dma_start3A_14 : memref<128xi32, #tpu.memory_space<hbm>>) target(%arg7 : memref<128xi32, #tpu.memory_space<vmem>>) target_semaphore(%run_scoped3A : memref<!tpu.dma_semaphore, #tpu.memory_space<semaphore_mem>>)
      %dma_wait3A_15 = tpu.memref_slice %arg3[%mul3A_2] : memref<4096xi32, #tpu.memory_space<hbm>> -> memref<128xi32, #tpu.memory_space<hbm>>
      %dma_wait3A_16 = tpu.memref_slice %arg3[%mul3A_2] : memref<4096xi32, #tpu.memory_space<hbm>> -> memref<128xi32, #tpu.memory_space<hbm>>
      tpu.wait_dma2 semaphore(%run_scoped3A : memref<!tpu.dma_semaphore, #tpu.memory_space<semaphore_mem>>) src(%dma_wait3A_16 : memref<128xi32, #tpu.memory_space<hbm>>) dst(%arg7 : memref<128xi32, #tpu.memory_space<vmem>>)
      tpu.yield
    }) : () -> ()
    "tpu.region"() ({
      %run_scoped3A = tpu.sem_alloc : memref<!tpu.dma_semaphore, #tpu.memory_space<semaphore_mem>>
      %dma_start3A_13 = tpu.memref_slice %arg4[%mul3A_2] : memref<4096xi32, #tpu.memory_space<hbm>> -> memref<128xi32, #tpu.memory_space<hbm>>
      %dma_start3A_14 = tpu.memref_slice %arg4[%mul3A_2] : memref<4096xi32, #tpu.memory_space<hbm>> -> memref<128xi32, #tpu.memory_space<hbm>>
      tpu.enqueue_dma source(%dma_start3A_14 : memref<128xi32, #tpu.memory_space<hbm>>) target(%arg8 : memref<128xi32, #tpu.memory_space<vmem>>) target_semaphore(%run_scoped3A : memref<!tpu.dma_semaphore, #tpu.memory_space<semaphore_mem>>)
      %dma_wait3A_15 = tpu.memref_slice %arg4[%mul3A_2] : memref<4096xi32, #tpu.memory_space<hbm>> -> memref<128xi32, #tpu.memory_space<hbm>>
      %dma_wait3A_16 = tpu.memref_slice %arg4[%mul3A_2] : memref<4096xi32, #tpu.memory_space<hbm>> -> memref<128xi32, #tpu.memory_space<hbm>>
      tpu.wait_dma2 semaphore(%run_scoped3A : memref<!tpu.dma_semaphore, #tpu.memory_space<semaphore_mem>>) src(%dma_wait3A_16 : memref<128xi32, #tpu.memory_space<hbm>>) dst(%arg8 : memref<128xi32, #tpu.memory_space<vmem>>)
      tpu.yield
    }) : () -> ()
    %dma_start3A = arith.constant 0 : i32
    %dma_start3A_3 = arith.constant 0 : i32
    %dma_start3A_4 = tpu.memref_slice %arg2[%dma_start3A, %dma_start3A_3] : memref<1024x128xf32, #tpu.memory_space<hbm>> -> memref<1024x128xf32, #tpu.memory_space<hbm>>
    tpu.enqueue_indirect_dma source(%dma_start3A_4 : memref<1024x128xf32, #tpu.memory_space<hbm>>) target(%arg9 : memref<128x128xf32, #tpu.memory_space<vmem>>) offsets(%arg7 : memref<128xi32, #tpu.memory_space<vmem>>) semaphore(%arg11 : memref<!tpu.dma_semaphore, #tpu.memory_space<semaphore_mem>>)
    %dma_start3A_5 = arith.constant 0 : i32
    %dma_start3A_6 = arith.constant 0 : i32
    %dma_start3A_7 = tpu.memref_slice %arg2[%dma_start3A_5, %dma_start3A_6] : memref<1024x128xf32, #tpu.memory_space<hbm>> -> memref<1024x128xf32, #tpu.memory_space<hbm>>
    tpu.enqueue_indirect_dma source(%dma_start3A_7 : memref<1024x128xf32, #tpu.memory_space<hbm>>) target(%arg10 : memref<128x128xf32, #tpu.memory_space<vmem>>) offsets(%arg8 : memref<128xi32, #tpu.memory_space<vmem>>) semaphore(%arg12 : memref<!tpu.dma_semaphore, #tpu.memory_space<semaphore_mem>>)
    %dma_wait3A = arith.constant 0 : i32
    %dma_wait3A_8 = arith.constant 0 : i32
    %dma_wait3A_9 = tpu.memref_slice %arg2[%dma_wait3A, %dma_wait3A_8] : memref<1024x128xf32, #tpu.memory_space<hbm>> -> memref<1024x128xf32, #tpu.memory_space<hbm>>
    tpu.wait_indirect_dma semaphore(%arg11 : memref<!tpu.dma_semaphore, #tpu.memory_space<semaphore_mem>>) src(%dma_wait3A_9 : memref<1024x128xf32, #tpu.memory_space<hbm>>) dst(%arg9 : memref<128x128xf32, #tpu.memory_space<vmem>>)
    %dma_wait3A_10 = arith.constant 0 : i32
    %dma_wait3A_11 = arith.constant 0 : i32
    %dma_wait3A_12 = tpu.memref_slice %arg2[%dma_wait3A_10, %dma_wait3A_11] : memref<1024x128xf32, #tpu.memory_space<hbm>> -> memref<1024x128xf32, #tpu.memory_space<hbm>>
    tpu.wait_indirect_dma semaphore(%arg12 : memref<!tpu.dma_semaphore, #tpu.memory_space<semaphore_mem>>) src(%dma_wait3A_12 : memref<1024x128xf32, #tpu.memory_space<hbm>>) dst(%arg10 : memref<128x128xf32, #tpu.memory_space<vmem>>)
    "tpu.region"() ({
      %run_scoped3A = tpu.sem_alloc : memref<!tpu.dma_semaphore, #tpu.memory_space<semaphore_mem>>
      %dma_start3A_13 = arith.constant 0 : i32
      %dma_start3A_14 = tpu.memref_slice %arg5[%mul3A_2, %dma_start3A_13] : memref<4096x128xf32, #tpu.memory_space<hbm>> -> memref<128x128xf32, #tpu.memory_space<hbm>>
      %dma_start3A_15 = arith.constant 0 : i32
      %dma_start3A_16 = tpu.memref_slice %arg5[%mul3A_2, %dma_start3A_15] : memref<4096x128xf32, #tpu.memory_space<hbm>> -> memref<128x128xf32, #tpu.memory_space<hbm>>
      tpu.enqueue_dma source(%arg9 : memref<128x128xf32, #tpu.memory_space<vmem>>) target(%dma_start3A_16 : memref<128x128xf32, #tpu.memory_space<hbm>>) target_semaphore(%run_scoped3A : memref<!tpu.dma_semaphore, #tpu.memory_space<semaphore_mem>>)
      %dma_wait3A_17 = arith.constant 0 : i32
      %dma_wait3A_18 = tpu.memref_slice %arg5[%mul3A_2, %dma_wait3A_17] : memref<4096x128xf32, #tpu.memory_space<hbm>> -> memref<128x128xf32, #tpu.memory_space<hbm>>
      %dma_wait3A_19 = arith.constant 0 : i32
      %dma_wait3A_20 = tpu.memref_slice %arg5[%mul3A_2, %dma_wait3A_19] : memref<4096x128xf32, #tpu.memory_space<hbm>> -> memref<128x128xf32, #tpu.memory_space<hbm>>
      tpu.wait_dma2 semaphore(%run_scoped3A : memref<!tpu.dma_semaphore, #tpu.memory_space<semaphore_mem>>) src(%arg9 : memref<128x128xf32, #tpu.memory_space<vmem>>) dst(%dma_wait3A_20 : memref<128x128xf32, #tpu.memory_space<hbm>>)
      tpu.yield
    }) : () -> ()
    "tpu.region"() ({
      %run_scoped3A = tpu.sem_alloc : memref<!tpu.dma_semaphore, #tpu.memory_space<semaphore_mem>>
      %dma_start3A_13 = arith.constant 0 : i32
      %dma_start3A_14 = tpu.memref_slice %arg6[%mul3A_2, %dma_start3A_13] : memref<4096x128xf32, #tpu.memory_space<hbm>> -> memref<128x128xf32, #tpu.memory_space<hbm>>
      %dma_start3A_15 = arith.constant 0 : i32
      %dma_start3A_16 = tpu.memref_slice %arg6[%mul3A_2, %dma_start3A_15] : memref<4096x128xf32, #tpu.memory_space<hbm>> -> memref<128x128xf32, #tpu.memory_space<hbm>>
      tpu.enqueue_dma source(%arg10 : memref<128x128xf32, #tpu.memory_space<vmem>>) target(%dma_start3A_16 : memref<128x128xf32, #tpu.memory_space<hbm>>) target_semaphore(%run_scoped3A : memref<!tpu.dma_semaphore, #tpu.memory_space<semaphore_mem>>)
      %dma_wait3A_17 = arith.constant 0 : i32
      %dma_wait3A_18 = tpu.memref_slice %arg6[%mul3A_2, %dma_wait3A_17] : memref<4096x128xf32, #tpu.memory_space<hbm>> -> memref<128x128xf32, #tpu.memory_space<hbm>>
      %dma_wait3A_19 = arith.constant 0 : i32
      %dma_wait3A_20 = tpu.memref_slice %arg6[%mul3A_2, %dma_wait3A_19] : memref<4096x128xf32, #tpu.memory_space<hbm>> -> memref<128x128xf32, #tpu.memory_space<hbm>>
      tpu.wait_dma2 semaphore(%run_scoped3A : memref<!tpu.dma_semaphore, #tpu.memory_space<semaphore_mem>>) src(%arg10 : memref<128x128xf32, #tpu.memory_space<vmem>>) dst(%dma_wait3A_20 : memref<128x128xf32, #tpu.memory_space<hbm>>)
      tpu.yield
    }) : () -> ()
    return
  }
}

module attributes {stable_mosaic.version = 14 : i64} {
  func.func @_pick_body(%arg0: i32, %arg1: memref<2048x64xf32, #tpu.memory_space<vmem>>, %arg2: memref<2048x128xf32, #tpu.memory_space<vmem>>, %arg3: memref<2048x128xf32, #tpu.memory_space<vmem>>, %arg4: memref<2048x64xf32, #tpu.memory_space<vmem>>) attributes {dimension_semantics = [#tpu.dimension_semantics<arbitrary>], iteration_bounds = array<i64: 2>, scalar_prefetch = 0 : i64, scratch_operands = 0 : i64, tpu.core_type = #tpu.core_type<tc>, window_params = [{transform_indices = @transform_0, window_bounds = array<i64: 2048, 64>}, {transform_indices = @transform_1, window_bounds = array<i64: 2048, 128>}, {transform_indices = @transform_2, window_bounds = array<i64: 2048, 128>}, {transform_indices = @transform_3, window_bounds = array<i64: 2048, 64>}]} {
    %get3A = arith.constant 0 : index
    %get3A_0 = arith.constant 0 : index
    %get3A_1 = vector.load %arg1[%get3A, %get3A_0] : memref<2048x64xf32, #tpu.memory_space<vmem>>, vector<2048x64xf32>
    %get3A_2 = arith.constant 0 : index
    %get3A_3 = arith.constant 0 : index
    %get3A_4 = vector.load %arg2[%get3A_2, %get3A_3] : memref<2048x128xf32, #tpu.memory_space<vmem>>, vector<2048x128xf32>
    %get3A_5 = arith.constant 0 : index
    %get3A_6 = arith.constant 0 : index
    %get3A_7 = vector.load %arg3[%get3A_5, %get3A_6] : memref<2048x128xf32, #tpu.memory_space<vmem>>, vector<2048x128xf32>
    %slice3A = vector.extract_strided_slice %get3A_4 {offsets = [0, 0], sizes = [2048, 64], strides = [1, 1]} : vector<2048x128xf32> to vector<2048x64xf32>
    %slice3A_8 = vector.extract_strided_slice %get3A_7 {offsets = [0, 0], sizes = [2048, 64], strides = [1, 1]} : vector<2048x128xf32> to vector<2048x64xf32>
    %slice3A_9 = vector.extract_strided_slice %get3A_4 {offsets = [0, 64], sizes = [2048, 1], strides = [1, 1]} : vector<2048x128xf32> to vector<2048x1xf32>
    %slice3A_10 = vector.extract_strided_slice %get3A_7 {offsets = [0, 64], sizes = [2048, 1], strides = [1, 1]} : vector<2048x128xf32> to vector<2048x1xf32>
    %sub3A = arith.subf %get3A_1, %slice3A : vector<2048x64xf32>
    %sub3A_11 = arith.subf %get3A_1, %slice3A_8 : vector<2048x64xf32>
    %mul3A = arith.mulf %sub3A, %sub3A : vector<2048x64xf32>
    %reduce_sum3A = arith.constant dense<0.000000e+00> : vector<2048xf32>
    %reduce_sum3A_12 = vector.multi_reduction <add>, %mul3A, %reduce_sum3A [1] : vector<2048x64xf32> to vector<2048xf32>
    %broadcast_in_dim3A = vector.shape_cast %reduce_sum3A_12 : vector<2048xf32> to vector<2048x1xf32>
    %sqrt3A = math.sqrt %broadcast_in_dim3A : vector<2048x1xf32>
    %mul3A_13 = arith.mulf %sub3A_11, %sub3A_11 : vector<2048x64xf32>
    %reduce_sum3A_14 = arith.constant dense<0.000000e+00> : vector<2048xf32>
    %reduce_sum3A_15 = vector.multi_reduction <add>, %mul3A_13, %reduce_sum3A_14 [1] : vector<2048x64xf32> to vector<2048xf32>
    %broadcast_in_dim3A_16 = vector.shape_cast %reduce_sum3A_15 : vector<2048xf32> to vector<2048x1xf32>
    %sqrt3A_17 = math.sqrt %broadcast_in_dim3A_16 : vector<2048x1xf32>
    %lt3A = arith.cmpf olt, %sqrt3A_17, %sqrt3A : vector<2048x1xf32>
    %eq3A = arith.cmpf oeq, %sqrt3A_17, %sqrt3A : vector<2048x1xf32>
    %lt3A_18 = arith.cmpf olt, %slice3A_10, %slice3A_9 : vector<2048x1xf32>
    %and3A = arith.andi %eq3A, %lt3A_18 : vector<2048x1xi1>
    %or3A = arith.ori %lt3A, %and3A : vector<2048x1xi1>
    %broadcast_in_dim3A_19 = vector.shape_cast %or3A : vector<2048x1xi1> to vector<2048x1xi1>
    %broadcast_in_dim3A_20 = vector.broadcast %broadcast_in_dim3A_19 : vector<2048x1xi1> to vector<2048x64xi1>
    %select_n3A = arith.select %broadcast_in_dim3A_20, %slice3A_8, %slice3A : vector<2048x64xi1>, vector<2048x64xf32>
    %swap3A = arith.constant 0 : index
    %swap3A_21 = arith.constant 0 : index
    %swap3A_22 = vector.load %arg4[%swap3A, %swap3A_21] : memref<2048x64xf32, #tpu.memory_space<vmem>>, vector<2048x64xf32>
    tpu.vector_store %arg4[%swap3A, %swap3A_21], %select_n3A {strides = array<i32>} : memref<2048x64xf32, #tpu.memory_space<vmem>>, vector<2048x64xf32>,
    return
  }
  func.func @transform_0(%arg0: i32) -> (i32, i32) {
    %c0_i32 = arith.constant 0 : i32
    %c0_i32_0 = arith.constant 0 : i32
    return %arg0, %c0_i32 : i32, i32
  }
  func.func @transform_1(%arg0: i32) -> (i32, i32) {
    %c0_i32 = arith.constant 0 : i32
    %c0_i32_0 = arith.constant 0 : i32
    return %arg0, %c0_i32 : i32, i32
  }
  func.func @transform_2(%arg0: i32) -> (i32, i32) {
    %c0_i32 = arith.constant 0 : i32
    %c0_i32_0 = arith.constant 0 : i32
    return %arg0, %c0_i32 : i32, i32
  }
  func.func @transform_3(%arg0: i32) -> (i32, i32) {
    %c0_i32 = arith.constant 0 : i32
    %c0_i32_0 = arith.constant 0 : i32
    return %arg0, %c0_i32 : i32, i32
  }
}

module attributes {stable_mosaic.version = 14 : i64} {
  func.func @_rank_body(%arg0: i32, %arg1: memref<2048x64xf32, #tpu.memory_space<vmem>>, %arg2: memref<1024x64xf32, #tpu.memory_space<vmem>>, %arg3: memref<2048xi32, #tpu.memory_space<vmem>>, %arg4: memref<2048xi32, #tpu.memory_space<vmem>>, %arg5: memref<1024x128xf32, #tpu.memory_space<vmem>>, %arg6: memref<1x1024xf32, #tpu.memory_space<vmem>>) attributes {dimension_semantics = [#tpu.dimension_semantics<arbitrary>], iteration_bounds = array<i64: 2>, scalar_prefetch = 0 : i64, scratch_operands = 1 : i64, tpu.core_type = #tpu.core_type<tc>, window_params = [{transform_indices = @transform_0, window_bounds = array<i64: 2048, 64>}, {pipeline_mode = #tpu.pipeline_mode<synchronous>, transform_indices = @transform_1, window_bounds = array<i64: 1024, 64>}, {transform_indices = @transform_2, window_bounds = array<i64: 2048>}, {transform_indices = @transform_3, window_bounds = array<i64: 2048>}, {pipeline_mode = #tpu.pipeline_mode<synchronous>, transform_indices = @transform_4, window_bounds = array<i64: 1024, 128>}]} {
    %get3A = arith.constant 0 : index
    %get3A_0 = arith.constant 0 : index
    %get3A_1 = vector.load %arg2[%get3A, %get3A_0] : memref<1024x64xf32, #tpu.memory_space<vmem>>, vector<1024x64xf32>
    %eq3A = arith.constant 0 : i32
    %eq3A_2 = arith.cmpi eq, %arg0, %eq3A : i32
    %convert_element_type3A = arith.extui %eq3A_2 : i1 to i32
    %cond3A = arith.constant 0 : i32
    %cond3A_3 = arith.cmpi ne, %convert_element_type3A, %cond3A : i32
    scf.if %cond3A_3 {
      %broadcast_in_dim3A_41 = arith.constant 1.000000e+00 : f32
      %broadcast_in_dim3A_42 = vector.broadcast %broadcast_in_dim3A_41 : f32 to vector<1x64xf32>
      %mul3A_43 = arith.mulf %get3A_1, %get3A_1 : vector<1024x64xf32>
      %dot_general3A_44 = arith.constant dense<0.000000e+00> : vector<1x1024xf32>
      %dot_general3A_45 = tpu.matmul %broadcast_in_dim3A_42, %mul3A_43, %dot_general3A_44 {dimension_numbers = #tpu.dot_dimension_numbers<[1], [1], [0], [0], [0, 0, 1, 0], [], []>, precision = #tpu.contract_precision<fp32>, transpose_lhs_hint = false} : vector<1x64xf32>, vector<1024x64xf32>, vector<1x1024xf32> -> vector<1x1024xf32>
      %swap3A_46 = arith.constant 0 : index
      %swap3A_47 = arith.constant 0 : index
      %swap3A_48 = vector.load %arg6[%swap3A_46, %swap3A_47] : memref<1x1024xf32, #tpu.memory_space<vmem>>, vector<1x1024xf32>
      tpu.vector_store %arg6[%swap3A_46, %swap3A_47], %dot_general3A_45 {strides = array<i32>} : memref<1x1024xf32, #tpu.memory_space<vmem>>, vector<1x1024xf32>,
      %iota3A_49 = tpu.iota {dimensions = array<i32: 0>} : vector<1024x1xi32>
      %convert_element_type3A_50 = arith.sitofp %iota3A_49 : vector<1024x1xi32> to vector<1024x1xf32>
      %broadcast_in_dim3A_51 = arith.constant 0.000000e+00 : f32
      %broadcast_in_dim3A_52 = vector.broadcast %broadcast_in_dim3A_51 : f32 to vector<1024x63xf32>
      %concatenate3A = tpu.concatenate %get3A_1, %convert_element_type3A_50, %broadcast_in_dim3A_52 in 1 : vector<1024x64xf32>, vector<1024x1xf32>, vector<1024x63xf32> -> vector<1024x128xf32>
      %swap3A_53 = arith.constant 0 : index
      %swap3A_54 = arith.constant 0 : index
      %swap3A_55 = vector.load %arg5[%swap3A_53, %swap3A_54] : memref<1024x128xf32, #tpu.memory_space<vmem>>, vector<1024x128xf32>
      tpu.vector_store %arg5[%swap3A_53, %swap3A_54], %concatenate3A {strides = array<i32>} : memref<1024x128xf32, #tpu.memory_space<vmem>>, vector<1024x128xf32>,
    } else {
    }
    %get3A_4 = arith.constant 0 : index
    %get3A_5 = arith.constant 0 : index
    %get3A_6 = vector.load %arg1[%get3A_4, %get3A_5] : memref<2048x64xf32, #tpu.memory_space<vmem>>, vector<2048x64xf32>
    %dot_general3A = arith.constant dense<0.000000e+00> : vector<2048x1024xf32>
    %dot_general3A_7 = tpu.matmul %get3A_6, %get3A_1, %dot_general3A {dimension_numbers = #tpu.dot_dimension_numbers<[1], [1], [0], [0], [0, 0, 1, 0], [], []>, precision = #tpu.contract_precision<fp32>, transpose_lhs_hint = false} : vector<2048x64xf32>, vector<1024x64xf32>, vector<2048x1024xf32> -> vector<2048x1024xf32>
    %get3A_8 = arith.constant 0 : index
    %get3A_9 = arith.constant 0 : index
    %get3A_10 = vector.load %arg6[%get3A_8, %get3A_9] : memref<1x1024xf32, #tpu.memory_space<vmem>>, vector<1x1024xf32>
    %mul3A = arith.constant 2.000000e+00 : f32
    %mul3A_11 = vector.broadcast %mul3A : f32 to vector<2048x1024xf32>
    %mul3A_12 = arith.mulf %mul3A_11, %dot_general3A_7 : vector<2048x1024xf32>
    %sub3A = vector.broadcast %get3A_10 : vector<1x1024xf32> to vector<2048x1024xf32>
    %sub3A_13 = arith.subf %sub3A, %mul3A_12 : vector<2048x1024xf32>
    %iota3A = tpu.iota {dimensions = array<i32: 1>} : vector<2048x1024xi32>
    %reduce_min3A = arith.constant dense<0x7F800000> : vector<2048xf32>
    %reduce_min3A_14 = vector.multi_reduction <minimumf>, %sub3A_13, %reduce_min3A [1] : vector<2048x1024xf32> to vector<2048xf32>
    %broadcast_in_dim3A = vector.shape_cast %reduce_min3A_14 : vector<2048xf32> to vector<2048x1xf32>
    %eq3A_15 = vector.broadcast %broadcast_in_dim3A : vector<2048x1xf32> to vector<2048x1024xf32>
    %eq3A_16 = arith.cmpf oeq, %sub3A_13, %eq3A_15 : vector<2048x1024xf32>
    %jit3A = arith.constant 1073741824 : i32
    %broadcast_in_dim3A_17 = vector.broadcast %jit3A : i32 to vector<2048x1024xi32>
    %select_n3A = arith.select %eq3A_16, %iota3A, %broadcast_in_dim3A_17 : vector<2048x1024xi1>, vector<2048x1024xi32>
    %reduce_min3A_18 = arith.constant dense<2147483647> : vector<2048xi32>
    %reduce_min3A_19 = vector.multi_reduction <minsi>, %select_n3A, %reduce_min3A_18 [1] : vector<2048x1024xi32> to vector<2048xi32>
    %broadcast_in_dim3A_20 = vector.shape_cast %reduce_min3A_19 : vector<2048xi32> to vector<2048x1xi32>
    %eq3A_21 = vector.broadcast %broadcast_in_dim3A_20 : vector<2048x1xi32> to vector<2048x1024xi32>
    %eq3A_22 = arith.cmpi eq, %iota3A, %eq3A_21 : vector<2048x1024xi32>
    %jit3A_23 = arith.constant 0x7F800000 : f32
    %broadcast_in_dim3A_24 = vector.broadcast %jit3A_23 : f32 to vector<2048x1024xf32>
    %select_n3A_25 = arith.select %eq3A_22, %broadcast_in_dim3A_24, %sub3A_13 : vector<2048x1024xi1>, vector<2048x1024xf32>
    %reduce_min3A_26 = arith.constant dense<0x7F800000> : vector<2048xf32>
    %reduce_min3A_27 = vector.multi_reduction <minimumf>, %select_n3A_25, %reduce_min3A_26 [1] : vector<2048x1024xf32> to vector<2048xf32>
    %broadcast_in_dim3A_28 = vector.shape_cast %reduce_min3A_27 : vector<2048xf32> to vector<2048x1xf32>
    %eq3A_29 = vector.broadcast %broadcast_in_dim3A_28 : vector<2048x1xf32> to vector<2048x1024xf32>
    %eq3A_30 = arith.cmpf oeq, %select_n3A_25, %eq3A_29 : vector<2048x1024xf32>
    %jit3A_31 = arith.constant 1073741824 : i32
    %broadcast_in_dim3A_32 = vector.broadcast %jit3A_31 : i32 to vector<2048x1024xi32>
    %select_n3A_33 = arith.select %eq3A_30, %iota3A, %broadcast_in_dim3A_32 : vector<2048x1024xi1>, vector<2048x1024xi32>
    %reduce_min3A_34 = arith.constant dense<2147483647> : vector<2048xi32>
    %reduce_min3A_35 = vector.multi_reduction <minsi>, %select_n3A_33, %reduce_min3A_34 [1] : vector<2048x1024xi32> to vector<2048xi32>
    %broadcast_in_dim3A_36 = vector.shape_cast %reduce_min3A_35 : vector<2048xi32> to vector<2048x1xi32>
    %reshape3A = vector.shape_cast %broadcast_in_dim3A_20 : vector<2048x1xi32> to vector<2048xi32>
    %swap3A = arith.constant 0 : index
    %swap3A_37 = vector.load %arg3[%swap3A] : memref<2048xi32, #tpu.memory_space<vmem>>, vector<2048xi32>
    tpu.vector_store %arg3[%swap3A], %reshape3A {strides = array<i32>} : memref<2048xi32, #tpu.memory_space<vmem>>, vector<2048xi32>,
    %reshape3A_38 = vector.shape_cast %broadcast_in_dim3A_36 : vector<2048x1xi32> to vector<2048xi32>
    %swap3A_39 = arith.constant 0 : index
    %swap3A_40 = vector.load %arg4[%swap3A_39] : memref<2048xi32, #tpu.memory_space<vmem>>, vector<2048xi32>
    tpu.vector_store %arg4[%swap3A_39], %reshape3A_38 {strides = array<i32>} : memref<2048xi32, #tpu.memory_space<vmem>>, vector<2048xi32>,
    return
  }
  func.func @transform_0(%arg0: i32) -> (i32, i32) {
    %c0_i32 = arith.constant 0 : i32
    %c0_i32_0 = arith.constant 0 : i32
    return %arg0, %c0_i32 : i32, i32
  }
  func.func @transform_1(%arg0: i32) -> (i32, i32) {
    %c0_i32 = arith.constant 0 : i32
    %c0_i32_0 = arith.constant 0 : i32
    %c0_i32_1 = arith.constant 0 : i32
    return %c0_i32, %c0_i32_0 : i32, i32
  }
  func.func @transform_2(%arg0: i32) -> i32 {
    %c0_i32 = arith.constant 0 : i32
    return %arg0 : i32
  }
  func.func @transform_3(%arg0: i32) -> i32 {
    %c0_i32 = arith.constant 0 : i32
    return %arg0 : i32
  }
  func.func @transform_4(%arg0: i32) -> (i32, i32) {
    %c0_i32 = arith.constant 0 : i32
    %c0_i32_0 = arith.constant 0 : i32
    %c0_i32_1 = arith.constant 0 : i32
    return %c0_i32, %c0_i32_0 : i32, i32
  }
}

</mosaic_0001>

<sc_bundles>
// kernel: kernel.5.cloned.1.call-start
scs
__scs_entry_jumppad:
0x0: {  	(pc) =	sbr.rel $0x88, $3  }
0x1: {  	(tag) =	ssettag $0x0;
	lr =	simm.s32 $0x1  }
0x2: {  	[smem:$0x3F9F] =	sst lr;
	_ =	strace $0xD0000000  }
0x3: {  	_ = 	snop  }
0x4: {  	_ = 	snop  }
0x5: {  	_ = 	snop  }
0x6: {  	_ = 	snop  }
0x7: {  	_ = 	snop  }
__scs_overlays_trampoline_lowered:
0x8: {  	[smem:$0x3FAE] =	sst s0  }
0x9: {  	[smem:$0x3FAF] =	sst s1  }
0xa: {  	[smem:$0x3FB0] =	sst s2  }
0xb: {  	[smem:$0x3FB1] =	sst s3  }
0xc: {  	[smem:$0x3FB2] =	sst s4  }
0xd: {  	[smem:$0x3FB3] =	sst s5  }
0xe: {  	[smem:$0x3FB4] =	sst s6  }
0xf: {  	[smem:$0x3FB5] =	sst s7  }
0x10: {  	[smem:$0x3FB6] =	sst s8  }
0x11: {  	[smem:$0x3FB7] =	sst s9;
	s0 =	simm.s32 @!p0 $0x0  }
0x12: {  	s1 =	sld [smem:$0x3F9D];
	s0 =	simm.s32 @p0 $0x1  }
0x13: {  	[smem:$0x3FB8] =	sst s0;
	s0 =	simm.s32 @!p1 $0x0  }
0x14: {  	s2 =	sld [smem:$0x3F9C];
	s0 =	simm.s32 @p1 $0x1  }
0x15: {  	[smem:$0x3FB9] =	sst s0;
	s0 =	simm.s32 @!p2 $0x0  }
0x16: {  	s3 =	sld [smem:$0x3FDB];
	s0 =	simm.s32 @p2 $0x1  }
0x17: {  	s4 =	simm.s32 $0x1BF5;
	[smem:$0x3FBB] =	sst s0  }
0x18: {  	s0 =	sld [smem:$0x3F9E];
	_ =	swait.ge [sflag:s4], $0x0  }
0x19: {  	s7 =	sld [smem:$0x3F9F]  }
0x1a: {  	s8 =	sadd.s32 $0xFFFFE003, lr  }
0x1b: {  	s9 =	sadd.s32 $0xFFFFFEF7, lr;
	s5 =	simm.s32 $0xFFFFFFFF;
	p2 =	slt.u32 s8, $0xFFFFF086  }
0x1c: {  	p1 =	slt.u32 s9, $0xF7A;
	s5 =	simm.s32 @!p2 $0x0  }
0x1d: {  	s5 =	simm.s32 @p1 $0x1;
	p0 =	seq.s32 s7, s2  }
0x1e: {  	s7 =	smul.u32 @!p0 $0xF7A, s2;
	p2 =	seq.s32 @!p0 s5, $0x0  }
0x1f: {  	s9 =	smul.u32 $0xF7A, s1;
	s8 =	simm.s32 @!p0 $0x1BF5;
	p2 =	por !p2, p0  }
0x20: {  	[sflag:s8] =	ssyncset.s32 @!p0 $0xFFFFF086;
	s6 =	sadd.s32 @!p0 s3, s7;
	s7 =	simm.s32 @!p0 $0x108  }
0x21: {  	s3 =	sadd.s32 s3, s9;
	s6 =	sadd.s32 @!p0 $0x88, s6;
	s7 =	simm.s32 @p2 $0x1082  }
0x22: {  	[simem:s7], [sflag:s8] =	dma.local @!p0 [hbm:s6], $0xF7A  }
0x23: {  	s9 =	sor.u32 $0xD0000000, s2;
	s6 =	simm.s32 $0x108;
	_ =	swait.ge @!p0 [sflag:s8], $0x0  }
0x24: {  	s3 =	sadd.s32 $0x88, s3;
	s6 =	simm.s32 @!p1 $0x1082;
	[sflag:s4] =	ssyncset.s32 $0xFFFFF086  }
0x25: {  	[simem:s6], [sflag:s4] =	dma.local [hbm:s3], $0xF7A  }
0x26: {  	[smem:$0x3F9F] =	sst s1;
	(tag) =	ssettag s2;
	_ =	strace s9  }
0x27: {  	s1 =	sld [smem:$0x3FAF]  }
0x28: {  	s2 =	sld [smem:$0x3FB0]  }
0x29: {  	s4 =	sld [smem:$0x3FB2]  }
0x2a: {  	p0 =	seq.s32 s5, $0x0;
	s5 =	sld [smem:$0x3FB3]  }
0x2b: {  	s6 =	sld [smem:$0x3FB4]  }
0x2c: {  	s7 =	sld [smem:$0x3FB5]  }
0x2d: {  	s3 =	simm.s32 $0x108;
	s8 =	sld [smem:$0x3FB6]  }
0x2e: {  	s3 =	simm.s32 @!p0 $0x1082;
	s9 =	sld [smem:$0x3FB7]  }
0x2f: {  	lr =	sadd.s32 s0, s3;
	s0 =	sld [smem:$0x3FAE]  }
0x30: {  	s3 =	sld [smem:$0x3FB1]  }
0x31: {  	[smem:$0x3FBA] =	sst s10  }
0x32: {  	s10 =	sld [smem:$0x3FB8];
	_ =	sdelay $0x3  }
0x33: {  	p0 =	seq.s32 s10, $0x1;
	s10 =	sld [smem:$0x3FBA];
	_ =	sdelay $0x3  }
0x34: {  	[smem:$0x3FBA] =	sst s10  }
0x35: {  	s10 =	sld [smem:$0x3FB9];
	_ =	sdelay $0x3  }
0x36: {  	p1 =	seq.s32 s10, $0x1;
	s10 =	sld [smem:$0x3FBA];
	_ =	sdelay $0x3  }
0x37: {  	[smem:$0x3FBA] =	sst s10  }
0x38: {  	s10 =	sld [smem:$0x3FBB]  }
0x39: {  	_ = 	snop;
	(pc) =	sbr.ind lr, $3  }
0x3a: {  	_ = 	snop  }
0x3b: {  	_ = 	snop  }
0x3c: {  	p2 =	seq.s32 s10, $0x1;
	s10 =	sld [smem:$0x3FBA]  }
0x3d: {  	_ =	shalt  }
0x3e: {  	_ =	shalt  }
0x3f: {  	_ =	shalt  }
0x40: {  	_ =	shalt  }
0x41: {  	_ =	shalt  }
0x42: {  	_ =	shalt  }
0x43: {  	_ =	shalt  }
0x44: {  	_ =	shalt  }
0x45: {  	_ =	shalt  }
0x46: {  	_ =	shalt  }
0x47: {  	_ =	shalt  }
0x48: {  	_ =	shalt  }
0x49: {  	_ =	shalt  }
0x4a: {  	_ =	shalt  }
0x4b: {  	_ =	shalt  }
0x4c: {  	_ =	shalt  }
0x4d: {  	_ =	shalt  }
0x4e: {  	_ =	shalt  }
0x4f: {  	_ =	shalt  }
0x50: {  	_ =	shalt  }
0x51: {  	_ =	shalt  }
0x52: {  	_ =	shalt  }
0x53: {  	_ =	shalt  }
0x54: {  	_ =	shalt  }
0x55: {  	_ =	shalt  }
0x56: {  	_ =	shalt  }
0x57: {  	_ =	shalt  }
0x58: {  	_ =	shalt  }
0x59: {  	_ =	shalt  }
0x5a: {  	_ =	shalt  }
0x5b: {  	_ =	shalt  }
0x5c: {  	_ =	shalt  }
0x5d: {  	_ =	shalt  }
0x5e: {  	_ =	shalt  }
0x5f: {  	_ =	shalt  }
0x60: {  	_ =	shalt  }
0x61: {  	_ =	shalt  }
0x62: {  	_ =	shalt  }
0x63: {  	_ =	shalt  }
0x64: {  	_ =	shalt  }
0x65: {  	_ =	shalt  }
0x66: {  	_ =	shalt  }
0x67: {  	_ =	shalt  }
0x68: {  	_ =	shalt  }
0x69: {  	_ =	shalt  }
0x6a: {  	_ =	shalt  }
0x6b: {  	_ =	shalt  }
0x6c: {  	_ =	shalt  }
0x6d: {  	_ =	shalt  }
0x6e: {  	_ =	shalt  }
0x6f: {  	_ =	shalt  }
0x70: {  	_ =	shalt  }
0x71: {  	_ =	shalt  }
0x72: {  	_ =	shalt  }
0x73: {  	_ =	shalt  }
0x74: {  	_ =	shalt  }
0x75: {  	_ =	shalt  }
0x76: {  	_ =	shalt  }
0x77: {  	_ =	shalt  }
0x78: {  	_ =	shalt  }
0x79: {  	_ =	shalt  }
0x7a: {  	_ =	shalt  }
0x7b: {  	_ =	shalt  }
0x7c: {  	_ =	shalt  }
0x7d: {  	_ =	shalt  }
0x7e: {  	_ =	shalt  }
0x7f: {  	_ =	shalt  }
0x80: {  	_ =	shalt  }
0x81: {  	_ =	shalt  }
0x82: {  	_ =	shalt  }
0x83: {  	_ =	shalt  }
0x84: {  	_ =	shalt  }
0x85: {  	_ =	shalt  }
0x86: {  	_ =	shalt  }
0x87: {  	_ =	shalt  }
.Lfunc_end0:
.L_simem_size_0:
called_computation_lowered:
.L_overlay_start_0:
0x88: {  	s2 =	sld [smem:$0x3FD9]  }
0x89: {  	s3 =	sld [smem:$0x3FFE];
	_ =	sdelay $0x1  }
0x8a: {  	s1 =	srdreg.scid  }
0x8b: {  	s0 =	sand.u32 $0x1, s1  }
0x8c: {  	s17 =	sshll.u32 s0, $0xA;
	s2 =	sadd.s32 s3, s2  }
0x8d: {  	s2 =	sadd.s32 s2, s17  }
0x8e: {  	[smem:$0x3FC6] =	sst s2  }
0x8f: {  	_ = 	snop  }
0x90: {  	s2 =	sld [smem:$0x3FD0];
	(tm) =	ssettm $0x1  }
0x91: {  	s18 =	sld [smem:$0x3FFB];
	_ =	sdelay $0x3  }
0x92: {  	_ =	strace s18  }
0x93: {  	s3 =	sld [smem:$0x3FFC];
	_ =	sdelay $0x3  }
0x94: {  	_ =	strace s3  }
0x95: {  	s3 =	sld [smem:$0x3FFD];
	_ =	sdelay $0x3  }
0x96: {  	_ =	strace s3  }
0x97: {  	_ =	strace $0x8FFFFFFF  }
0x98: {  	s19 =	sld [smem:$0x3FDB];
	_ =	sdelay $0x1  }
0x99: {  	s4 =	simm.s32 $_scs_section_size  }
0x9a: {  	s5 =	simm.s32 $_size__tile_overlayer_lowered;
	s6 =	simm.s32 $_tile_overlayer_lowered  }
0x9b: {  	s22 =	simm.s32 $0x1BFF;
	s21 =	sshll.u32 s6, $0x1;
	s3 =	sadd.s32 s4, s19  }
0x9c: {  	s7 =	simm.s32 $0x0;
	s20 =	sshll.u32 s5, $0x1;
	s5 =	sadd.s32 s21, s3  }
0x9d: {  	[timem:s7], [sflag:s22] =	dma.local [hbm:s5], s20  }
0x9e: {  	_ =	swait.ge [sflag:s22], s20  }
0x9f: {  	s4 =	ssub.s32 $0x0, s20;
	[sflag:s22] =	ssyncset.done $0x0  }
0xa0: {  	[sflag:s22] =	ssyncadd.s32 s4;
	_ =	sdelay $0x1  }
0xa1: {  	s23 =	simm.s32 $0x1B8B  }
0xa2: {  	_ =	swait.ge [sflag:s23], $0x1  }
0xa3: {  	[sflag:s23] =	ssyncset.done $0x0  }
0xa4: {  	s25 =	simm.s32 $0x1B8E;
	s24 =	sld [smem:$0x3FFE];
	[sflag:s23] =	ssyncadd.s32 $0xFFFFFFFF  }
0xa5: {  	s26 =	simm.s32 $execute0_lowered;
	[smem:$0x3FD2] =	sst s25  }
0xa6: {  	s5 =	sshll.u32 s26, $0x1;
	_ =	strace $0x80000046;
	[dreg:$0x1] =	wrdreg $0xFFFFFFFF  }
0xa7: {  	s28 =	simm.s32 $_size_execute0_lowered;
	s3 =	sadd.s32 s3, s5;
	[dreg:$0x0] =	wrdreg $0x0  }
0xa8: {  	s5 =	sshll.u32 s28, $0x1;
	[dreg:$0x2] =	wrdreg s3  }
0xa9: {  	[dreg:$0x3] =	wrdreg s5  }
0xaa: {  	[dreg:$0x4] =	wrdreg $0xC0  }
0xab: {  	_ =	task [dreg:s7], $0x5FFFF  }
0xac: {  	[dreg:$0x1] =	wrdreg $0xFFFFFFFF  }
0xad: {  	[dreg:$0x0] =	wrdreg $0x60  }
0xae: {  	[dreg:$0x2] =	wrdreg s2  }
0xaf: {  	[dreg:$0x3] =	wrdreg s24  }
0xb0: {  	[dreg:$0x4] =	wrdreg $0x9  }
0xb1: {  	_ =	task.clear_ibuf [dreg:s7], $0x5FFFF;
	_ =	strace $0x90000046  }
0xb2: {  	s29 =	simm.s32 $0x9;
	_ =	strace $0x80000048  }
0xb3: {  	_ =	swait.ge [sflag:s29], $0x1  }
0xb4: {  	[sflag:s29] =	ssyncadd.s32 $0xFFFFFFFF  }
0xb5: {  	_ =	strace $0x90000048  }
0xb6: {  	_ =	sfence  }
0xb7: {  	s30 =	sld [smem:$0x0];
	_ =	sdelay $0x2  }
0xb8: {  	s31 =	sshll.u32 s1, $0xD;
	s1 =	sshrl.u32 s1, $0x2  }
0xb9: {  	s3 =	sand.u32 $0x4000, s31;
	s1 =	sadd.s32 s1, s30  }
0xba: {  	s0 =	sor.u32 s3, s0;
	s1 =	sshll.u32 s1, $0x11  }
0xbb: {  	s0 =	sor.u32 s1, s0  }
0xbc: {  	s0 =	sadd.s32 $0x8F2B, s0  }
0xbd: {  	[sflag:s0] =	ssyncadd.remote.s32 $0x1  }
0xbe: {  	_ =	sfence.sel $0xFFFF  }
0xbf: {  	[dreg:$0x0] =	wrdreg $0xFFFFFFFF;
	(pc) =	sbr.abs _section_cstart, $3  }
0xc0: {  	[dreg:$0x1] =	wrdreg $0xFFFFFFFF  }
0xc1: {  	_ =	task.clear_ibuf [dreg:s7], $0x2FFFF;
	_ =	strace $0x9FFFFFFF  }
0xc2: {  	(tm) =	ssettm $0x7FFFFFFF  }
0xc3: {  	_ =	shalt  }
tec
execute0_lowered:
.L_overlay_start_1:
0x0: {  	(tag) =	ssettag $0x1  }
0x1: {  	s1 =	srdreg.scid  }
0x2: {  	s0 =	stileid.u32;
	s12 =	sand.u32 $0x1, s1  }
0x3: {  	s2 =	rddreg [dreg:$0x0];
	s30 =	sshll.u32 s0, $0x8;
	s3 =	sshll.u32 s12, $0x7  }
0x4: {  	s13 =	rddreg [dreg:$0x1];
	s14 =	sor.u32 s3, s30  }
0x5: {  	s1 =	rddreg [dreg:$0x2];
	s3 =	simm.s32 $0x0;
	s4 =	sshrl.u32 s14, $0x3  }
0x6: {  	[smem:$0x7FF] =	sst s3;
	s6 =	sadd.s32 s4, s13  }
0x7: {  	_ =	strace $0x80000047;
	s4 =	simm.s32 $0x3;
	s5 =	sadd.s32 $0x1400, s6  }
0x8: {  	[tilespmem:s3], [sflag:$0x3] =	stream.linear.gather [hbm4b:s5+s3], $0x80, $0x38;
	[tilespmem:$0x8100] =	vst v63  }
0x9: {  	_ =	swait.ge [sflag:s4], $0x80  }
0xa: {  	[sflag:s4] =	ssyncset.done $0x0  }
0xb: {  	s7 =	simm.s32 $0x80;
	s6 =	sadd.s32 $0x1600, s6;
	[sflag:s4] =	ssyncadd.s32 $0xFFFFFF80  }
0xc: {  	[tilespmem:s7], [sflag:$0x3] =	stream.linear.gather [hbm4b:s6+s3], $0x80, $0x38;
	[tilespmem:$0x8100] =	vst v63  }
0xd: {  	_ =	swait.ge [sflag:s4], $0x80  }
0xe: {  	[sflag:s4] =	ssyncset.done $0x0  }
0xf: {  	s8 =	simm.s32 $0x100;
	[sflag:s4] =	ssyncadd.s32 $0xFFFFFF80  }
0x10: {  	[tilespmem:s8], [sflag:$0x1] =	stream.indirect.gather [hbm4b:s2+s7], $0x80, s3, s7, $0xb8;
	[tilespmem:$0x8100] =	vst v63  }
0x11: {  	s9 =	simm.s32 $0x4100;
	s10 =	simm.s32 $0x1  }
0x12: {  	[tilespmem:s9], [sflag:$0x2] =	stream.indirect.gather [hbm4b:s2+s7], $0x80, s7, s7, $0xb8;
	[tilespmem:$0x8100] =	vst v63  }
0x13: {  	_ =	swait.ge [sflag:s10], $0x4000  }
0x14: {  	[sflag:s10] =	ssyncset.done $0x0  }
0x15: {  	s11 =	simm.s32 $0x2;
	s31 =	ssub.s32 $0x2, s12;
	[sflag:s10] =	ssyncadd.s32 $0xFFFFC000  }
0x16: {  	s15 =	sshrl.u32 s31, $0x1;
	s14 =	sshll.u32 s14, $0x4;
	_ =	swait.ge [sflag:s11], $0x4000  }
0x17: {  	s13 =	sadd.s32 s14, s13;
	s14 =	ssub.s32 s31, s15;
	[sflag:s11] =	ssyncset.done $0x0  }
0x18: {  	s12 =	sadd.s32 $0x1800, s13;
	s14 =	smax.u32 s14, $0x1;
	[sflag:s11] =	ssyncadd.s32 $0xFFFFC000  }
0x19: {  	[hbm4b:s12+s3] =	stream.linear.scatter [tilespmem:s8], [sflag:$0x3], $0x4000, $0x38;
	[tilespmem:$0x8100] =	vst v63  }
0x1a: {  	p0 =	sne.s32 s14, $0x1;
	_ =	swait.ge [sflag:s4], $0x4000  }
.Ltmp0:
0x1b: {  	[sflag:s4] =	ssyncset.done $0x0;
	(pc) =	sbr.rel @!p0 .LBB2_2-.Ltmp0, $4  }
0x1c: {  	s13 =	sadd.s32 $0x11800, s13;
	[sflag:s4] =	ssyncadd.s32 $0xFFFFC000  }
0x1d: {  	[hbm4b:s13+s3] =	stream.linear.scatter [tilespmem:s9], [sflag:$0x3], $0x4000, $0x38;
	[tilespmem:$0x8100] =	vst v63  }
0x1e: {  	_ =	swait.ge [sflag:s4], $0x4000  }
0x1f: {  	s14 =	sadd.s32 $0xFFFFFFFF, s14;
	[sflag:s4] =	ssyncset.done $0x0  }
.LBB2_1:
0x20: {  	p0 =	sne.s32 s14, $0x1;
	s14 =	sadd.s32 $0xFFFFFFFF, s14;
	[sflag:s4] =	ssyncadd.s32 $0xFFFFC000  }
0x21: {  	[tilespmem:s3], [sflag:$0x3] =	stream.linear.gather [hbm4b:s5+s3], $0x80, $0x38;
	[tilespmem:$0x8100] =	vst v63  }
0x22: {  	_ =	swait.ge [sflag:s4], $0x80  }
0x23: {  	[sflag:s4] =	ssyncset.done $0x0  }
0x24: {  	[sflag:s4] =	ssyncadd.s32 $0xFFFFFF80  }
0x25: {  	[tilespmem:s7], [sflag:$0x3] =	stream.linear.gather [hbm4b:s6+s3], $0x80, $0x38;
	[tilespmem:$0x8100] =	vst v63  }
0x26: {  	_ =	swait.ge [sflag:s4], $0x80  }
0x27: {  	[sflag:s4] =	ssyncset.done $0x0  }
0x28: {  	[sflag:s4] =	ssyncadd.s32 $0xFFFFFF80  }
0x29: {  	[tilespmem:s8], [sflag:$0x1] =	stream.indirect.gather [hbm4b:s2+s7], $0x80, s3, s7, $0xb8;
	[tilespmem:$0x8100] =	vst v63  }
0x2a: {  	_ = 	snop  }
0x2b: {  	[tilespmem:s9], [sflag:$0x2] =	stream.indirect.gather [hbm4b:s2+s7], $0x80, s7, s7, $0xb8;
	[tilespmem:$0x8100] =	vst v63  }
0x2c: {  	_ =	swait.ge [sflag:s10], $0x4000  }
0x2d: {  	[sflag:s10] =	ssyncset.done $0x0  }
0x2e: {  	[sflag:s10] =	ssyncadd.s32 $0xFFFFC000  }
0x2f: {  	_ =	swait.ge [sflag:s11], $0x4000  }
0x30: {  	[sflag:s11] =	ssyncset.done $0x0  }
0x31: {  	[sflag:s11] =	ssyncadd.s32 $0xFFFFC000  }
0x32: {  	[hbm4b:s12+s3] =	stream.linear.scatter [tilespmem:s8], [sflag:$0x3], $0x4000, $0x38;
	[tilespmem:$0x8100] =	vst v63  }
0x33: {  	_ =	swait.ge [sflag:s4], $0x4000  }
.Ltmp1:
0x34: {  	[sflag:s4] =	ssyncset.done $0x0;
	(pc) =	sbr.rel @p0 .LBB2_1-.Ltmp1, $4  }
0x35: {  	[sflag:s4] =	ssyncadd.s32 $0xFFFFC000  }
0x36: {  	[hbm4b:s13+s3] =	stream.linear.scatter [tilespmem:s9], [sflag:$0x3], $0x4000, $0x38;
	[tilespmem:$0x8100] =	vst v63  }
0x37: {  	_ =	swait.ge [sflag:s4], $0x4000  }
0x38: {  	[sflag:s4] =	ssyncset.done $0x0  }
.LBB2_2:
0x39: {  	[sflag:s4] =	ssyncadd.s32 $0xFFFFC000  }
0x3a: {  	_ =	sfence.sel $0x180000  }
0x3b: {  	[bflag:$0x0] =	sbarrier.arrive $0xFFFF  }
0x3c: {  	p0 =	sne.s32 s0, $0x0;
	_ =	strace $0x90000047  }
0x3d: {  	s0 =	sadd.s32 @!p0 $0x100000, s1;
	[bflag:$0x2] =	sbarrier.arrive $0xFFFF  }
0x3e: {  	[sflag:s0] =	ssyncadd.tile.s32 @!p0 $0x1;
	_ =	shalt  }
.Lfunc_end2:
_tile_overlayer_lowered:
.L_overlay_start_2:
0x3f: {  	(tag) =	ssettag $0x2  }
0x40: {  	s0 =	rddreg [dreg:$0x0];
	s2 =	stileid.u32  }
0x41: {  	s1 =	rddreg [dreg:$0x1];
	p0 =	sne.s32 s2, $0x0  }
0x42: {  	s3 =	rddreg [dreg:$0x2];
	[bflag:$0x3] =	sbarrier.arrive $0xFFFF;
	s2 =	simm.s32 @!p0 $0x1C03  }
0x43: {  	[timem:s3], [sflag:s2] =	dma.local @!p0 [hbm:s0], s1  }
0x44: {  	s0 =	simm.s32 @!p0 $0x3  }
0x45: {  	_ =	swait.ge @!p0 [sflag:s0], s1  }
0x46: {  	s1 =	ssub.s32 @!p0 $0x0, s1;
	[sflag:s0] =	ssyncset.done @!p0 $0x0  }
0x47: {  	[sflag:s0] =	ssyncadd.s32 @!p0 s1  }
0x48: {  	[bflag:$0x3] =	sbarrier.arrive $0xFFFF  }
0x49: {  	_ =	shalt  }

</sc_bundles>
